<compile_context>
chip_gen: v7x
topology: tpu7x:2x2x1
jax: 0.10.2.dev20260603
libtpu: 0.0.44.dev20260713+nightly
codegen_flags: <defaults>
</compile_context>

<pallas_src>
import functools

import jax
import jax.numpy as jnp
from jax import lax
from jax.experimental import pallas as pl
from jax.experimental.pallas import tpu as pltpu
from jax.experimental.pallas import tpu_sc as plsc

D = 32
NCODE = 8192
NTOK = 8192
TB = 2048
KB = 2048
NKB = NCODE // KB


def _argmin_body(z_ref, zsq_ref, esq_ref, e_ref, mask_ref,
                 idx_ref, se_ref, ms_ref):
    zb = z_ref[...]
    zsq = zsq_ref[...]

    def chunk(k, carry):
        run_min, run_idx, run_exact = carry
        e_chunk = e_ref[pl.ds(k * KB, KB), :]
        esq = esq_ref[:, pl.ds(k * KB, KB)]
        mm = lax.dot_general(zb, e_chunk, (((1,), (1,)), ((), ())),
                             preferred_element_type=jnp.float32)
        d = (zsq + esq) - 2.0 * mm
        m = jnp.min(d, axis=1, keepdims=True)
        col = lax.broadcasted_iota(jnp.int32, (TB, KB), 1) + k * KB
        li = jnp.min(jnp.where(d == m, col, NCODE), axis=1, keepdims=True)
        better = m < run_min
        m_carry = m.astype(jnp.bfloat16).astype(jnp.float32)
        return (jnp.where(better, m_carry, run_min),
                jnp.where(better, li, run_idx),
                jnp.where(better, m, run_exact))

    init = (jnp.full((TB, 1), jnp.inf, jnp.float32),
            jnp.zeros((TB, 1), jnp.int32),
            jnp.full((TB, 1), jnp.inf, jnp.float32))
    run_min, run_idx, run_exact = lax.fori_loop(0, NKB, chunk, init)
    idx_ref[...] = run_idx
    mb = mask_ref[...]
    i = pl.program_id(0)
    se_ref[pl.ds(i, 1), :] = jnp.sum(run_exact * mb).reshape(1, 1)
    ms_ref[pl.ds(i, 1), :] = jnp.sum(mb).reshape(1, 1)


def _argmin_call(z_flat, z_sq, e_sq, embeddings, mask_flat):
    nblk = NTOK // TB
    return pl.pallas_call(
        _argmin_body,
        grid=(nblk,),
        in_specs=[
            pl.BlockSpec((TB, D), lambda i: (i, 0)),
            pl.BlockSpec((TB, 1), lambda i: (i, 0)),
            pl.BlockSpec((1, NCODE), lambda i: (0, 0)),
            pl.BlockSpec((NCODE, D), lambda i: (0, 0)),
            pl.BlockSpec((TB, 1), lambda i: (i, 0)),
        ],
        out_specs=[
            pl.BlockSpec((TB, 1), lambda i: (i, 0)),
            pl.BlockSpec((nblk, 1), lambda i: (0, 0)),
            pl.BlockSpec((nblk, 1), lambda i: (0, 0)),
        ],
        out_shape=[
            jax.ShapeDtypeStruct((NTOK, 1), jnp.int32),
            jax.ShapeDtypeStruct((nblk, 1), jnp.float32),
            jax.ShapeDtypeStruct((nblk, 1), jnp.float32),
        ],
    )(z_flat, z_sq, e_sq, embeddings, mask_flat)


GROW = 128


def _make_sc_gather():
    info = plsc.get_sparse_core_info()
    nw = info.num_cores * info.num_subcores
    b_per_w = NTOK // nw
    nch = b_per_w // 128
    mesh = plsc.VectorSubcoreMesh(core_axis_name="c", subcore_axis_name="s")

    @functools.partial(
        pl.kernel, mesh=mesh,
        out_type=jax.ShapeDtypeStruct((NTOK, GROW), jnp.float32),
        scratch_types=[
            pltpu.VMEM((nch, 128), jnp.int32),
            pltpu.VMEM((b_per_w, GROW), jnp.float32),
            pltpu.SemaphoreType.DMA,
        ],
    )
    def gather(table_hbm, idx_hbm, out_hbm, idx_v, rows_v, sem):
        wid = lax.axis_index("s") * info.num_cores + lax.axis_index("c")
        base = wid * b_per_w
        pltpu.sync_copy(idx_hbm.at[pl.ds(wid * nch, nch)], idx_v)
        for c in range(nch):
            pltpu.async_copy(
                table_hbm.at[idx_v.at[c]],
                rows_v.at[pl.ds(c * 128, 128)], sem).wait()
        pltpu.sync_copy(rows_v, out_hbm.at[pl.ds(base, b_per_w)])

    return gather


def kernel(z, mask, embeddings):
    orig_shape = z.shape
    z_flat = z.reshape(-1, z.shape[-1])
    z_sq = jnp.sum(z_flat ** 2, axis=1, keepdims=True)
    e_sq = jnp.sum(embeddings ** 2, axis=1).reshape(1, NCODE)
    mask_flat = mask.reshape(NTOK, 1)

    idx2d, se_parts, ms_parts = _argmin_call(
        z_flat, z_sq, e_sq, embeddings, mask_flat)
    idx = idx2d.reshape(NTOK)

    e_pad = jnp.pad(embeddings, ((0, 0), (0, GROW - D)))
    rows = _make_sc_gather()(e_pad, idx.reshape(NTOK // 128, 128))
    quantized = rows[:, :D].reshape(orig_shape)
    quantized_st = z + (quantized - z)

    mse = (jnp.sum(se_parts) / 32.0) / jnp.maximum(jnp.sum(ms_parts), 1.0)
    loss = mse + 0.25 * mse

    return quantized_st, idx.reshape(orig_shape[:-1]), loss

# --- scband reference (transcript-rebuilt; emitter-appended) ---
"""Pipeline reference for scband-quantizer-20169166422747 (READ-ONLY COPY).

The authoritative reference and input builder live on the scoring server;
editing this copy changes nothing except your own understanding.
"""

import jax, jax.numpy as jnp
import numpy as np

N_EMBEDDINGS = 8192
EMBEDDING_DIM = 32
COMMITMENT_LOSS_FACTOR = 0.25
QUANTIZATION_LOSS_FACTOR = 1.0


def temporal_mse_loss(pred, target, mask):
    # per-timestep MSE over feature dim, masked average over (B, T)
    se = jnp.mean((pred - target) ** 2, axis=-1)  # [B, T]
    return jnp.sum(se * mask) / jnp.maximum(jnp.sum(mask), 1.0)


def setup_inputs(seed: int = 0) -> dict:
    key = jax.random.key(seed)
    k1, k2 = jax.random.split(key)
    z = jax.random.normal(k1, (8, 1024, EMBEDDING_DIM), dtype=jnp.float32)
    mask = jnp.ones((8, 1024), dtype=jnp.float32)
    embeddings = jax.random.uniform(
        k2, (N_EMBEDDINGS, EMBEDDING_DIM), dtype=jnp.float32,
        minval=-1.0 / N_EMBEDDINGS, maxval=1.0 / N_EMBEDDINGS)
    return {"z": z, "mask": mask, "embeddings": embeddings}


def reference(z, mask, embeddings):
    original_shape = z.shape
    z_flat = z.reshape(-1, z.shape[-1])  # [B*T, D]
    distances = (jnp.sum(z_flat ** 2, axis=1, keepdims=True)
                 + jnp.sum(embeddings ** 2, axis=1)
                 - 2.0 * jnp.matmul(z_flat, embeddings.T))  # [B*T, K]
    encoding_indices = jnp.argmin(distances, axis=1)  # [B*T]
    quantized_flat = jnp.take(embeddings, encoding_indices, axis=0)
    quantized = quantized_flat.reshape(original_shape)
    embedding_loss = temporal_mse_loss(quantized, jax.lax.stop_gradient(z), mask)
    commitment_loss = temporal_mse_loss(z, jax.lax.stop_gradient(quantized), mask)
    loss = QUANTIZATION_LOSS_FACTOR * embedding_loss + COMMITMENT_LOSS_FACTOR * commitment_loss
    quantized_st = z + jax.lax.stop_gradient(quantized - z)
    quantized_indices = encoding_indices.reshape(original_shape[:-1])
    return quantized_st, quantized_indices, loss

if __name__ == "__main__":
    import jax
    _d = setup_inputs()
    print(jax.jit(kernel)(*tuple(_d.values())))

</pallas_src>

<mosaic_0001>
#map = affine_map<(d0, d1) -> (0, 0)>
module attributes {stable_mosaic.version = 14 : i64} {
  func.func @gather(%arg0: i32, %arg1: i32, %arg2: memref<8192x128xf32, #tpu.memory_space<hbm>>, %arg3: memref<64x128xi32, #tpu.memory_space<hbm>>, %arg4: memref<8192x128xf32, #tpu.memory_space<hbm>>, %arg5: memref<2x128xi32, #tpu.memory_space<vmem>>, %arg6: memref<256x128xf32, #tpu.memory_space<vmem>>, %arg7: memref<!tpu.dma_semaphore, #tpu.memory_space<semaphore_mem>>) attributes {dimension_semantics = [#tpu.dimension_semantics<core_parallel>, #tpu.dimension_semantics<subcore_parallel>], iteration_bounds = array<i64: 2, 16>, scalar_prefetch = 0 : i64, scratch_operands = 3 : i64, tpu.core_type = #tpu.core_type<sc_vector_subcore>, window_params = [{transform_indices = #map}, {transform_indices = #map}, {transform_indices = #map}]} {
    %mul3A = arith.constant 2 : i32
    %mul3A_0 = arith.muli %arg1, %mul3A : i32
    %add3A = arith.addi %mul3A_0, %arg0 : i32
    %mul3A_1 = arith.constant 256 : i32
    %mul3A_2 = arith.muli %add3A, %mul3A_1 : i32
    %mul3A_3 = arith.constant 2 : i32
    %mul3A_4 = arith.muli %add3A, %mul3A_3 : i32
    "tpu.region"() ({
      %run_scoped3A = tpu.sem_alloc : memref<!tpu.dma_semaphore, #tpu.memory_space<semaphore_mem>>
      %dma_start3A_43 = arith.constant 0 : i32
      %dma_start3A_44 = tpu.memref_slice %arg3[%mul3A_4, %dma_start3A_43] : memref<64x128xi32, #tpu.memory_space<hbm>> -> memref<2x128xi32, #tpu.memory_space<hbm>>
      %dma_start3A_45 = arith.constant 0 : i32
      %dma_start3A_46 = tpu.memref_slice %arg3[%mul3A_4, %dma_start3A_45] : memref<64x128xi32, #tpu.memory_space<hbm>> -> memref<2x128xi32, #tpu.memory_space<hbm>>
      tpu.enqueue_dma source(%dma_start3A_46 : memref<2x128xi32, #tpu.memory_space<hbm>>) target(%arg5 : memref<2x128xi32, #tpu.memory_space<vmem>>) target_semaphore(%run_scoped3A : memref<!tpu.dma_semaphore, #tpu.memory_space<semaphore_mem>>)
      %dma_wait3A_47 = arith.constant 0 : i32
      %dma_wait3A_48 = tpu.memref_slice %arg3[%mul3A_4, %dma_wait3A_47] : memref<64x128xi32, #tpu.memory_space<hbm>> -> memref<2x128xi32, #tpu.memory_space<hbm>>
      %dma_wait3A_49 = arith.constant 0 : i32
      %dma_wait3A_50 = tpu.memref_slice %arg3[%mul3A_4, %dma_wait3A_49] : memref<64x128xi32, #tpu.memory_space<hbm>> -> memref<2x128xi32, #tpu.memory_space<hbm>>
      tpu.wait_dma2 semaphore(%run_scoped3A : memref<!tpu.dma_semaphore, #tpu.memory_space<semaphore_mem>>) src(%dma_wait3A_50 : memref<2x128xi32, #tpu.memory_space<hbm>>) dst(%arg5 : memref<2x128xi32, #tpu.memory_space<vmem>>)
      tpu.yield
    }) : () -> ()
    %dma_start3A = arith.constant 0 : i32
    %dma_start3A_5 = arith.constant 0 : i32
    %dma_start3A_6 = arith.constant 0 : i32
    %dma_start3A_7 = tpu.memref_slice %arg6[%dma_start3A_5, %dma_start3A_6] : memref<256x128xf32, #tpu.memory_space<vmem>> -> memref<128x128xf32, #tpu.memory_space<vmem>>
    %dma_start3A_8 = arith.constant 0 : i32
    %dma_start3A_9 = tpu.memref_slice %arg5[%dma_start3A, %dma_start3A_8] : memref<2x128xi32, #tpu.memory_space<vmem>> -> memref<1x128xi32, #tpu.memory_space<vmem>>
    %dma_start3A_10 = tpu.memref_squeeze %dma_start3A_9 : memref<1x128xi32, #tpu.memory_space<vmem>> -> memref<128xi32, #tpu.memory_space<vmem>>
    %dma_start3A_11 = arith.constant 0 : i32
    %dma_start3A_12 = arith.constant 0 : i32
    %dma_start3A_13 = tpu.memref_slice %arg2[%dma_start3A_11, %dma_start3A_12] : memref<8192x128xf32, #tpu.memory_space<hbm>> -> memref<8192x128xf32, #tpu.memory_space<hbm>>
    tpu.enqueue_indirect_dma source(%dma_start3A_13 : memref<8192x128xf32, #tpu.memory_space<hbm>>) target(%dma_start3A_7 : memref<128x128xf32, #tpu.memory_space<vmem>>) offsets(%dma_start3A_10 : memref<128xi32, #tpu.memory_space<vmem>>) semaphore(%arg7 : memref<!tpu.dma_semaphore, #tpu.memory_space<semaphore_mem>>)
    %dma_wait3A = arith.constant 0 : i32
    %dma_wait3A_14 = arith.constant 0 : i32
    %dma_wait3A_15 = arith.constant 0 : i32
    %dma_wait3A_16 = tpu.memref_slice %arg6[%dma_wait3A_14, %dma_wait3A_15] : memref<256x128xf32, #tpu.memory_space<vmem>> -> memref<128x128xf32, #tpu.memory_space<vmem>>
    %dma_wait3A_17 = arith.constant 0 : i32
    %dma_wait3A_18 = tpu.memref_slice %arg5[%dma_wait3A, %dma_wait3A_17] : memref<2x128xi32, #tpu.memory_space<vmem>> -> memref<1x128xi32, #tpu.memory_space<vmem>>
    %dma_wait3A_19 = tpu.memref_squeeze %dma_wait3A_18 : memref<1x128xi32, #tpu.memory_space<vmem>> -> memref<128xi32, #tpu.memory_space<vmem>>
    %dma_wait3A_20 = arith.constant 0 : i32
    %dma_wait3A_21 = arith.constant 0 : i32
    %dma_wait3A_22 = tpu.memref_slice %arg2[%dma_wait3A_20, %dma_wait3A_21] : memref<8192x128xf32, #tpu.memory_space<hbm>> -> memref<8192x128xf32, #tpu.memory_space<hbm>>
    tpu.wait_indirect_dma semaphore(%arg7 : memref<!tpu.dma_semaphore, #tpu.memory_space<semaphore_mem>>) src(%dma_wait3A_22 : memref<8192x128xf32, #tpu.memory_space<hbm>>) dst(%dma_wait3A_16 : memref<128x128xf32, #tpu.memory_space<vmem>>)
    %dma_start3A_23 = arith.constant 1 : i32
    %dma_start3A_24 = arith.constant 128 : i32
    %dma_start3A_25 = arith.constant 0 : i32
    %dma_start3A_26 = tpu.memref_slice %arg6[%dma_start3A_24, %dma_start3A_25] : memref<256x128xf32, #tpu.memory_space<vmem>> -> memref<128x128xf32, #tpu.memory_space<vmem>>
    %dma_start3A_27 = arith.constant 0 : i32
    %dma_start3A_28 = tpu.memref_slice %arg5[%dma_start3A_23, %dma_start3A_27] : memref<2x128xi32, #tpu.memory_space<vmem>> -> memref<1x128xi32, #tpu.memory_space<vmem>>
    %dma_start3A_29 = tpu.memref_squeeze %dma_start3A_28 : memref<1x128xi32, #tpu.memory_space<vmem>> -> memref<128xi32, #tpu.memory_space<vmem>>
    %dma_start3A_30 = arith.constant 0 : i32
    %dma_start3A_31 = arith.constant 0 : i32
    %dma_start3A_32 = tpu.memref_slice %arg2[%dma_start3A_30, %dma_start3A_31] : memref<8192x128xf32, #tpu.memory_space<hbm>> -> memref<8192x128xf32, #tpu.memory_space<hbm>>
    tpu.enqueue_indirect_dma source(%dma_start3A_32 : memref<8192x128xf32, #tpu.memory_space<hbm>>) target(%dma_start3A_26 : memref<128x128xf32, #tpu.memory_space<vmem>>) offsets(%dma_start3A_29 : memref<128xi32, #tpu.memory_space<vmem>>) semaphore(%arg7 : memref<!tpu.dma_semaphore, #tpu.memory_space<semaphore_mem>>)
    %dma_wait3A_33 = arith.constant 1 : i32
    %dma_wait3A_34 = arith.constant 128 : i32
    %dma_wait3A_35 = arith.constant 0 : i32
    %dma_wait3A_36 = tpu.memref_slice %arg6[%dma_wait3A_34, %dma_wait3A_35] : memref<256x128xf32, #tpu.memory_space<vmem>> -> memref<128x128xf32, #tpu.memory_space<vmem>>
    %dma_wait3A_37 = arith.constant 0 : i32
    %dma_wait3A_38 = tpu.memref_slice %arg5[%dma_wait3A_33, %dma_wait3A_37] : memref<2x128xi32, #tpu.memory_space<vmem>> -> memref<1x128xi32, #tpu.memory_space<vmem>>
    %dma_wait3A_39 = tpu.memref_squeeze %dma_wait3A_38 : memref<1x128xi32, #tpu.memory_space<vmem>> -> memref<128xi32, #tpu.memory_space<vmem>>
    %dma_wait3A_40 = arith.constant 0 : i32
    %dma_wait3A_41 = arith.constant 0 : i32
    %dma_wait3A_42 = tpu.memref_slice %arg2[%dma_wait3A_40, %dma_wait3A_41] : memref<8192x128xf32, #tpu.memory_space<hbm>> -> memref<8192x128xf32, #tpu.memory_space<hbm>>
    tpu.wait_indirect_dma semaphore(%arg7 : memref<!tpu.dma_semaphore, #tpu.memory_space<semaphore_mem>>) src(%dma_wait3A_42 : memref<8192x128xf32, #tpu.memory_space<hbm>>) dst(%dma_wait3A_36 : memref<128x128xf32, #tpu.memory_space<vmem>>)
    "tpu.region"() ({
      %run_scoped3A = tpu.sem_alloc : memref<!tpu.dma_semaphore, #tpu.memory_space<semaphore_mem>>
      %dma_start3A_43 = arith.constant 0 : i32
      %dma_start3A_44 = tpu.memref_slice %arg4[%mul3A_2, %dma_start3A_43] : memref<8192x128xf32, #tpu.memory_space<hbm>> -> memref<256x128xf32, #tpu.memory_space<hbm>>
      %dma_start3A_45 = arith.constant 0 : i32
      %dma_start3A_46 = tpu.memref_slice %arg4[%mul3A_2, %dma_start3A_45] : memref<8192x128xf32, #tpu.memory_space<hbm>> -> memref<256x128xf32, #tpu.memory_space<hbm>>
      tpu.enqueue_dma source(%arg6 : memref<256x128xf32, #tpu.memory_space<vmem>>) target(%dma_start3A_46 : memref<256x128xf32, #tpu.memory_space<hbm>>) target_semaphore(%run_scoped3A : memref<!tpu.dma_semaphore, #tpu.memory_space<semaphore_mem>>)
      %dma_wait3A_47 = arith.constant 0 : i32
      %dma_wait3A_48 = tpu.memref_slice %arg4[%mul3A_2, %dma_wait3A_47] : memref<8192x128xf32, #tpu.memory_space<hbm>> -> memref<256x128xf32, #tpu.memory_space<hbm>>
      %dma_wait3A_49 = arith.constant 0 : i32
      %dma_wait3A_50 = tpu.memref_slice %arg4[%mul3A_2, %dma_wait3A_49] : memref<8192x128xf32, #tpu.memory_space<hbm>> -> memref<256x128xf32, #tpu.memory_space<hbm>>
      tpu.wait_dma2 semaphore(%run_scoped3A : memref<!tpu.dma_semaphore, #tpu.memory_space<semaphore_mem>>) src(%arg6 : memref<256x128xf32, #tpu.memory_space<vmem>>) dst(%dma_wait3A_50 : memref<256x128xf32, #tpu.memory_space<hbm>>)
      tpu.yield
    }) : () -> ()
    return
  }
}

module attributes {stable_mosaic.version = 14 : i64} {
  func.func @_argmin_body(%arg0: i32, %arg1: memref<2048x32xf32, #tpu.memory_space<vmem>>, %arg2: memref<2048x1xf32, #tpu.memory_space<vmem>>, %arg3: memref<1x8192xf32, #tpu.memory_space<vmem>>, %arg4: memref<8192x32xf32, #tpu.memory_space<vmem>>, %arg5: memref<2048x1xf32, #tpu.memory_space<vmem>>, %arg6: memref<2048x1xi32, #tpu.memory_space<vmem>>, %arg7: memref<4x1xf32, #tpu.memory_space<vmem>>, %arg8: memref<4x1xf32, #tpu.memory_space<vmem>>) attributes {dimension_semantics = [#tpu.dimension_semantics<arbitrary>], iteration_bounds = array<i64: 4>, scalar_prefetch = 0 : i64, scratch_operands = 0 : i64, tpu.core_type = #tpu.core_type<tc>, window_params = [{transform_indices = @transform_0, window_bounds = array<i64: 2048, 32>}, {transform_indices = @transform_1, window_bounds = array<i64: 2048, 1>}, {pipeline_mode = #tpu.pipeline_mode<synchronous>, transform_indices = @transform_2, window_bounds = array<i64: 1, 8192>}, {pipeline_mode = #tpu.pipeline_mode<synchronous>, transform_indices = @transform_3, window_bounds = array<i64: 8192, 32>}, {transform_indices = @transform_4, window_bounds = array<i64: 2048, 1>}, {transform_indices = @transform_5, window_bounds = array<i64: 2048, 1>}, {pipeline_mode = #tpu.pipeline_mode<synchronous>, transform_indices = @transform_6, window_bounds = array<i64: 4, 1>}, {pipeline_mode = #tpu.pipeline_mode<synchronous>, transform_indices = @transform_7, window_bounds = array<i64: 4, 1>}]} {
    %get3A = arith.constant 0 : index
    %get3A_0 = arith.constant 0 : index
    %get3A_1 = vector.load %arg1[%get3A, %get3A_0] : memref<2048x32xf32, #tpu.memory_space<vmem>>, vector<2048x32xf32>
    %get3A_2 = arith.constant 0 : index
    %get3A_3 = arith.constant 0 : index
    %get3A_4 = vector.load %arg2[%get3A_2, %get3A_3] : memref<2048x1xf32, #tpu.memory_space<vmem>>, vector<2048x1xf32>
    %broadcast_in_dim3A = arith.constant 0x7F800000 : f32
    %broadcast_in_dim3A_5 = vector.broadcast %broadcast_in_dim3A : f32 to vector<2048x1xf32>
    %broadcast_in_dim3A_6 = arith.constant 0 : i32
    %broadcast_in_dim3A_7 = vector.broadcast %broadcast_in_dim3A_6 : i32 to vector<2048x1xi32>
    %broadcast_in_dim3A_8 = arith.constant 0x7F800000 : f32
    %broadcast_in_dim3A_9 = vector.broadcast %broadcast_in_dim3A_8 : f32 to vector<2048x1xf32>
    %scan3A = arith.constant 0 : i32
    %scan3A_10 = arith.constant 4 : i32
    %scan3A_11 = arith.addi %scan3A, %scan3A_10 : i32
    %scan3A_12 = arith.constant 1 : i32
    %scan3A_13:3 = scf.for %scan3A_36 = %scan3A to %scan3A_11 step %scan3A_12 iter_args(%scan3A_37 = %broadcast_in_dim3A_5, %scan3A_38 = %broadcast_in_dim3A_7, %scan3A_39 = %broadcast_in_dim3A_9) -> (vector<2048x1xf32>, vector<2048x1xi32>, vector<2048x1xf32>)  : i32 {
      %mul3A_40 = arith.constant 2048 : i32
      %mul3A_41 = arith.muli %scan3A_36, %mul3A_40 : i32
      %get3A_42 = arith.index_cast %mul3A_41 : i32 to index
      %get3A_43 = arith.constant 0 : index
      %get3A_44 = vector.load %arg4[%get3A_42, %get3A_43] : memref<8192x32xf32, #tpu.memory_space<vmem>>, vector<2048x32xf32>
      %mul3A_45 = arith.constant 2048 : i32
      %mul3A_46 = arith.muli %scan3A_36, %mul3A_45 : i32
      %get3A_47 = arith.constant 0 : index
      %get3A_48 = arith.index_cast %mul3A_46 : i32 to index
      %get3A_49 = vector.load %arg3[%get3A_47, %get3A_48] : memref<1x8192xf32, #tpu.memory_space<vmem>>, vector<1x2048xf32>
      %dot_general3A = arith.constant dense<0.000000e+00> : vector<2048x2048xf32>
      %dot_general3A_50 = tpu.matmul %get3A_1, %get3A_44, %dot_general3A {dimension_numbers = #tpu.dot_dimension_numbers<[1], [1], [0], [0], [0, 0, 1, 0], [], []>, transpose_lhs_hint = false} : vector<2048x32xf32>, vector<2048x32xf32>, vector<2048x2048xf32> -> vector<2048x2048xf32>
      %add3A = vector.broadcast %get3A_4 : vector<2048x1xf32> to vector<2048x2048xf32>
      %add3A_51 = vector.broadcast %get3A_49 : vector<1x2048xf32> to vector<2048x2048xf32>
      %add3A_52 = arith.addf %add3A, %add3A_51 : vector<2048x2048xf32>
      %mul3A_53 = arith.constant 2.000000e+00 : f32
      %mul3A_54 = vector.broadcast %mul3A_53 : f32 to vector<2048x2048xf32>
      %mul3A_55 = arith.mulf %mul3A_54, %dot_general3A_50 : vector<2048x2048xf32>
      %sub3A = arith.subf %add3A_52, %mul3A_55 : vector<2048x2048xf32>
      %reduce_min3A = arith.constant dense<0x7F800000> : vector<2048xf32>
      %reduce_min3A_56 = vector.multi_reduction <minimumf>, %sub3A, %reduce_min3A [1] : vector<2048x2048xf32> to vector<2048xf32>
      %broadcast_in_dim3A_57 = vector.shape_cast %reduce_min3A_56 : vector<2048xf32> to vector<2048x1xf32>
      %iota3A = tpu.iota {dimensions = array<i32: 1>} : vector<2048x2048xi32>
      %mul3A_58 = arith.constant 2048 : i32
      %mul3A_59 = arith.muli %scan3A_36, %mul3A_58 : i32
      %add3A_60 = vector.broadcast %mul3A_59 : i32 to vector<2048x2048xi32>
      %add3A_61 = arith.addi %iota3A, %add3A_60 : vector<2048x2048xi32>
      %eq3A = vector.broadcast %broadcast_in_dim3A_57 : vector<2048x1xf32> to vector<2048x2048xf32>
      %eq3A_62 = arith.cmpf oeq, %sub3A, %eq3A : vector<2048x2048xf32>
      %jit3A = arith.constant 8192 : i32
      %broadcast_in_dim3A_63 = vector.broadcast %jit3A : i32 to vector<2048x2048xi32>
      %select_n3A = arith.select %eq3A_62, %add3A_61, %broadcast_in_dim3A_63 : vector<2048x2048xi1>, vector<2048x2048xi32>
      %reduce_min3A_64 = arith.constant dense<2147483647> : vector<2048xi32>
      %reduce_min3A_65 = vector.multi_reduction <minsi>, %select_n3A, %reduce_min3A_64 [1] : vector<2048x2048xi32> to vector<2048xi32>
      %broadcast_in_dim3A_66 = vector.shape_cast %reduce_min3A_65 : vector<2048xi32> to vector<2048x1xi32>
      %lt3A = arith.cmpf olt, %broadcast_in_dim3A_57, %scan3A_37 : vector<2048x1xf32>
      %convert_element_type3A = arith.truncf %broadcast_in_dim3A_57 : vector<2048x1xf32> to vector<2048x1xbf16>
      %convert_element_type3A_67 = arith.extf %convert_element_type3A : vector<2048x1xbf16> to vector<2048x1xf32>
      %select_n3A_68 = arith.select %lt3A, %convert_element_type3A_67, %scan3A_37 : vector<2048x1xi1>, vector<2048x1xf32>
      %select_n3A_69 = arith.select %lt3A, %broadcast_in_dim3A_66, %scan3A_38 : vector<2048x1xi1>, vector<2048x1xi32>
      %select_n3A_70 = arith.select %lt3A, %broadcast_in_dim3A_57, %scan3A_39 : vector<2048x1xi1>, vector<2048x1xf32>
      scf.yield %select_n3A_68, %select_n3A_69, %select_n3A_70 : vector<2048x1xf32>, vector<2048x1xi32>, vector<2048x1xf32>
    }
    %scan3A_14 = arith.constant 4 : i32
    %swap3A = arith.constant 0 : index
    %swap3A_15 = arith.constant 0 : index
    %swap3A_16 = vector.load %arg6[%swap3A, %swap3A_15] : memref<2048x1xi32, #tpu.memory_space<vmem>>, vector<2048x1xi32>
    tpu.vector_store %arg6[%swap3A, %swap3A_15], %scan3A_13#1 {strides = array<i32>} : memref<2048x1xi32, #tpu.memory_space<vmem>>, vector<2048x1xi32>,
    %get3A_17 = arith.constant 0 : index
    %get3A_18 = arith.constant 0 : index
    %get3A_19 = vector.load %arg5[%get3A_17, %get3A_18] : memref<2048x1xf32, #tpu.memory_space<vmem>>, vector<2048x1xf32>
    %mul3A = arith.mulf %scan3A_13#2, %get3A_19 : vector<2048x1xf32>
    %reduce_sum3A = vector.shape_cast %mul3A : vector<2048x1xf32> to vector<1x2048x1xf32>
    %reduce_sum3A_20 = arith.constant dense<0.000000e+00> : vector<1xf32>
    %reduce_sum3A_21 = vector.multi_reduction <add>, %reduce_sum3A, %reduce_sum3A_20 [1, 2] : vector<1x2048x1xf32> to vector<1xf32>
    %reduce_sum3A_22 = vector.shape_cast %reduce_sum3A_21 : vector<1xf32> to vector<1x1x1xf32>
    %reduce_sum3A_23 = vector.extract %reduce_sum3A_22[0, 0, 0] : f32 from vector<1x1x1xf32>
    %reshape3A = vector.broadcast %reduce_sum3A_23 : f32 to vector<1x1xf32>
    %swap3A_24 = arith.index_cast %arg0 : i32 to index
    %swap3A_25 = arith.constant 0 : index
    %swap3A_26 = vector.load %arg7[%swap3A_24, %swap3A_25] : memref<4x1xf32, #tpu.memory_space<vmem>>, vector<1x1xf32>
    tpu.vector_store %arg7[%swap3A_24, %swap3A_25], %reshape3A {strides = array<i32>} : memref<4x1xf32, #tpu.memory_space<vmem>>, vector<1x1xf32>,
    %reduce_sum3A_27 = vector.shape_cast %get3A_19 : vector<2048x1xf32> to vector<1x2048x1xf32>
    %reduce_sum3A_28 = arith.constant dense<0.000000e+00> : vector<1xf32>
    %reduce_sum3A_29 = vector.multi_reduction <add>, %reduce_sum3A_27, %reduce_sum3A_28 [1, 2] : vector<1x2048x1xf32> to vector<1xf32>
    %reduce_sum3A_30 = vector.shape_cast %reduce_sum3A_29 : vector<1xf32> to vector<1x1x1xf32>
    %reduce_sum3A_31 = vector.extract %reduce_sum3A_30[0, 0, 0] : f32 from vector<1x1x1xf32>
    %reshape3A_32 = vector.broadcast %reduce_sum3A_31 : f32 to vector<1x1xf32>
    %swap3A_33 = arith.index_cast %arg0 : i32 to index
    %swap3A_34 = arith.constant 0 : index
    %swap3A_35 = vector.load %arg8[%swap3A_33, %swap3A_34] : memref<4x1xf32, #tpu.memory_space<vmem>>, vector<1x1xf32>
    tpu.vector_store %arg8[%swap3A_33, %swap3A_34], %reshape3A_32 {strides = array<i32>} : memref<4x1xf32, #tpu.memory_space<vmem>>, vector<1x1xf32>,
    return
  }
  func.func @transform_0(%arg0: i32) -> (i32, i32) {
    %c0_i32 = arith.constant 0 : i32
    %c0_i32_0 = arith.constant 0 : i32
    return %arg0, %c0_i32 : i32, i32
  }
  func.func @transform_1(%arg0: i32) -> (i32, i32) {
    %c0_i32 = arith.constant 0 : i32
    %c0_i32_0 = arith.constant 0 : i32
    return %arg0, %c0_i32 : i32, i32
  }
  func.func @transform_2(%arg0: i32) -> (i32, i32) {
    %c0_i32 = arith.constant 0 : i32
    %c0_i32_0 = arith.constant 0 : i32
    %c0_i32_1 = arith.constant 0 : i32
    return %c0_i32, %c0_i32_0 : i32, i32
  }
  func.func @transform_3(%arg0: i32) -> (i32, i32) {
    %c0_i32 = arith.constant 0 : i32
    %c0_i32_0 = arith.constant 0 : i32
    %c0_i32_1 = arith.constant 0 : i32
    return %c0_i32, %c0_i32_0 : i32, i32
  }
  func.func @transform_4(%arg0: i32) -> (i32, i32) {
    %c0_i32 = arith.constant 0 : i32
    %c0_i32_0 = arith.constant 0 : i32
    return %arg0, %c0_i32 : i32, i32
  }
  func.func @transform_5(%arg0: i32) -> (i32, i32) {
    %c0_i32 = arith.constant 0 : i32
    %c0_i32_0 = arith.constant 0 : i32
    return %arg0, %c0_i32 : i32, i32
  }
  func.func @transform_6(%arg0: i32) -> (i32, i32) {
    %c0_i32 = arith.constant 0 : i32
    %c0_i32_0 = arith.constant 0 : i32
    %c0_i32_1 = arith.constant 0 : i32
    return %c0_i32, %c0_i32_0 : i32, i32
  }
  func.func @transform_7(%arg0: i32) -> (i32, i32) {
    %c0_i32 = arith.constant 0 : i32
    %c0_i32_0 = arith.constant 0 : i32
    %c0_i32_1 = arith.constant 0 : i32
    return %c0_i32, %c0_i32_0 : i32, i32
  }
}

</mosaic_0001>

<sc_bundles>
// kernel: kernel.4.cloned.1.call-start
scs
__scs_entry_jumppad:
0x0: {  	(pc) =	sbr.rel $0x88, $3  }
0x1: {  	(tag) =	ssettag $0x0;
	lr =	simm.s32 $0x1  }
0x2: {  	[smem:$0x3F9E] =	sst lr;
	_ =	strace $0xD0000000  }
0x3: {  	_ = 	snop  }
0x4: {  	_ = 	snop  }
0x5: {  	_ = 	snop  }
0x6: {  	_ = 	snop  }
0x7: {  	_ = 	snop  }
__scs_overlays_trampoline_lowered:
0x8: {  	[smem:$0x3FAD] =	sst s0  }
0x9: {  	[smem:$0x3FAE] =	sst s1  }
0xa: {  	[smem:$0x3FAF] =	sst s2  }
0xb: {  	[smem:$0x3FB0] =	sst s3  }
0xc: {  	[smem:$0x3FB1] =	sst s4  }
0xd: {  	[smem:$0x3FB2] =	sst s5  }
0xe: {  	[smem:$0x3FB3] =	sst s6  }
0xf: {  	[smem:$0x3FB4] =	sst s7  }
0x10: {  	[smem:$0x3FB5] =	sst s8  }
0x11: {  	[smem:$0x3FB6] =	sst s9;
	s0 =	simm.s32 @!p0 $0x0  }
0x12: {  	s1 =	sld [smem:$0x3F9C];
	s0 =	simm.s32 @p0 $0x1  }
0x13: {  	[smem:$0x3FB7] =	sst s0;
	s0 =	simm.s32 @!p1 $0x0  }
0x14: {  	s2 =	sld [smem:$0x3F9B];
	s0 =	simm.s32 @p1 $0x1  }
0x15: {  	[smem:$0x3FB8] =	sst s0;
	s0 =	simm.s32 @!p2 $0x0  }
0x16: {  	s3 =	sld [smem:$0x3FDB];
	s0 =	simm.s32 @p2 $0x1  }
0x17: {  	s4 =	simm.s32 $0x1BF5;
	[smem:$0x3FBA] =	sst s0  }
0x18: {  	s0 =	sld [smem:$0x3F9D];
	_ =	swait.ge [sflag:s4], $0x0  }
0x19: {  	s7 =	sld [smem:$0x3F9E]  }
0x1a: {  	s8 =	sadd.s32 $0xFFFFE003, lr  }
0x1b: {  	s9 =	sadd.s32 $0xFFFFFEF7, lr;
	s5 =	simm.s32 $0xFFFFFFFF;
	p2 =	slt.u32 s8, $0xFFFFF086  }
0x1c: {  	p1 =	slt.u32 s9, $0xF7A;
	s5 =	simm.s32 @!p2 $0x0  }
0x1d: {  	s5 =	simm.s32 @p1 $0x1;
	p0 =	seq.s32 s7, s2  }
0x1e: {  	s7 =	smul.u32 @!p0 $0xF7A, s2;
	p2 =	seq.s32 @!p0 s5, $0x0  }
0x1f: {  	s9 =	smul.u32 $0xF7A, s1;
	s8 =	simm.s32 @!p0 $0x1BF5;
	p2 =	por !p2, p0  }
0x20: {  	[sflag:s8] =	ssyncset.s32 @!p0 $0xFFFFF086;
	s6 =	sadd.s32 @!p0 s3, s7;
	s7 =	simm.s32 @!p0 $0x108  }
0x21: {  	s3 =	sadd.s32 s3, s9;
	s6 =	sadd.s32 @!p0 $0x88, s6;
	s7 =	simm.s32 @p2 $0x1082  }
0x22: {  	[simem:s7], [sflag:s8] =	dma.local @!p0 [hbm:s6], $0xF7A  }
0x23: {  	s9 =	sor.u32 $0xD0000000, s2;
	s6 =	simm.s32 $0x108;
	_ =	swait.ge @!p0 [sflag:s8], $0x0  }
0x24: {  	s3 =	sadd.s32 $0x88, s3;
	s6 =	simm.s32 @!p1 $0x1082;
	[sflag:s4] =	ssyncset.s32 $0xFFFFF086  }
0x25: {  	[simem:s6], [sflag:s4] =	dma.local [hbm:s3], $0xF7A  }
0x26: {  	[smem:$0x3F9E] =	sst s1;
	(tag) =	ssettag s2;
	_ =	strace s9  }
0x27: {  	s1 =	sld [smem:$0x3FAE]  }
0x28: {  	s2 =	sld [smem:$0x3FAF]  }
0x29: {  	s4 =	sld [smem:$0x3FB1]  }
0x2a: {  	p0 =	seq.s32 s5, $0x0;
	s5 =	sld [smem:$0x3FB2]  }
0x2b: {  	s6 =	sld [smem:$0x3FB3]  }
0x2c: {  	s7 =	sld [smem:$0x3FB4]  }
0x2d: {  	s3 =	simm.s32 $0x108;
	s8 =	sld [smem:$0x3FB5]  }
0x2e: {  	s3 =	simm.s32 @!p0 $0x1082;
	s9 =	sld [smem:$0x3FB6]  }
0x2f: {  	lr =	sadd.s32 s0, s3;
	s0 =	sld [smem:$0x3FAD]  }
0x30: {  	s3 =	sld [smem:$0x3FB0]  }
0x31: {  	[smem:$0x3FB9] =	sst s10  }
0x32: {  	s10 =	sld [smem:$0x3FB7];
	_ =	sdelay $0x3  }
0x33: {  	p0 =	seq.s32 s10, $0x1;
	s10 =	sld [smem:$0x3FB9];
	_ =	sdelay $0x3  }
0x34: {  	[smem:$0x3FB9] =	sst s10  }
0x35: {  	s10 =	sld [smem:$0x3FB8];
	_ =	sdelay $0x3  }
0x36: {  	p1 =	seq.s32 s10, $0x1;
	s10 =	sld [smem:$0x3FB9];
	_ =	sdelay $0x3  }
0x37: {  	[smem:$0x3FB9] =	sst s10  }
0x38: {  	s10 =	sld [smem:$0x3FBA]  }
0x39: {  	_ = 	snop;
	(pc) =	sbr.ind lr, $3  }
0x3a: {  	_ = 	snop  }
0x3b: {  	_ = 	snop  }
0x3c: {  	p2 =	seq.s32 s10, $0x1;
	s10 =	sld [smem:$0x3FB9]  }
0x3d: {  	_ =	shalt  }
0x3e: {  	_ =	shalt  }
0x3f: {  	_ =	shalt  }
0x40: {  	_ =	shalt  }
0x41: {  	_ =	shalt  }
0x42: {  	_ =	shalt  }
0x43: {  	_ =	shalt  }
0x44: {  	_ =	shalt  }
0x45: {  	_ =	shalt  }
0x46: {  	_ =	shalt  }
0x47: {  	_ =	shalt  }
0x48: {  	_ =	shalt  }
0x49: {  	_ =	shalt  }
0x4a: {  	_ =	shalt  }
0x4b: {  	_ =	shalt  }
0x4c: {  	_ =	shalt  }
0x4d: {  	_ =	shalt  }
0x4e: {  	_ =	shalt  }
0x4f: {  	_ =	shalt  }
0x50: {  	_ =	shalt  }
0x51: {  	_ =	shalt  }
0x52: {  	_ =	shalt  }
0x53: {  	_ =	shalt  }
0x54: {  	_ =	shalt  }
0x55: {  	_ =	shalt  }
0x56: {  	_ =	shalt  }
0x57: {  	_ =	shalt  }
0x58: {  	_ =	shalt  }
0x59: {  	_ =	shalt  }
0x5a: {  	_ =	shalt  }
0x5b: {  	_ =	shalt  }
0x5c: {  	_ =	shalt  }
0x5d: {  	_ =	shalt  }
0x5e: {  	_ =	shalt  }
0x5f: {  	_ =	shalt  }
0x60: {  	_ =	shalt  }
0x61: {  	_ =	shalt  }
0x62: {  	_ =	shalt  }
0x63: {  	_ =	shalt  }
0x64: {  	_ =	shalt  }
0x65: {  	_ =	shalt  }
0x66: {  	_ =	shalt  }
0x67: {  	_ =	shalt  }
0x68: {  	_ =	shalt  }
0x69: {  	_ =	shalt  }
0x6a: {  	_ =	shalt  }
0x6b: {  	_ =	shalt  }
0x6c: {  	_ =	shalt  }
0x6d: {  	_ =	shalt  }
0x6e: {  	_ =	shalt  }
0x6f: {  	_ =	shalt  }
0x70: {  	_ =	shalt  }
0x71: {  	_ =	shalt  }
0x72: {  	_ =	shalt  }
0x73: {  	_ =	shalt  }
0x74: {  	_ =	shalt  }
0x75: {  	_ =	shalt  }
0x76: {  	_ =	shalt  }
0x77: {  	_ =	shalt  }
0x78: {  	_ =	shalt  }
0x79: {  	_ =	shalt  }
0x7a: {  	_ =	shalt  }
0x7b: {  	_ =	shalt  }
0x7c: {  	_ =	shalt  }
0x7d: {  	_ =	shalt  }
0x7e: {  	_ =	shalt  }
0x7f: {  	_ =	shalt  }
0x80: {  	_ =	shalt  }
0x81: {  	_ =	shalt  }
0x82: {  	_ =	shalt  }
0x83: {  	_ =	shalt  }
0x84: {  	_ =	shalt  }
0x85: {  	_ =	shalt  }
0x86: {  	_ =	shalt  }
0x87: {  	_ =	shalt  }
.Lfunc_end0:
.L_simem_size_0:
called_computation_lowered:
.L_overlay_start_0:
0x88: {  	s2 =	sld [smem:$0x3FD9]  }
0x89: {  	s3 =	sld [smem:$0x3FFE];
	_ =	sdelay $0x1  }
0x8a: {  	s1 =	srdreg.scid  }
0x8b: {  	s0 =	sand.u32 $0x1, s1  }
0x8c: {  	s14 =	sshll.u32 s0, $0xA;
	s2 =	sadd.s32 s3, s2  }
0x8d: {  	s2 =	sadd.s32 s2, s14  }
0x8e: {  	[smem:$0x3FC5] =	sst s2  }
0x8f: {  	_ = 	snop  }
0x90: {  	s2 =	sld [smem:$0x3FD0];
	_ =	sdelay $0x2  }
0x91: {  	s15 =	simm.s32 $0xA;
	s4 =	simm.s32 $0x10  }
0x92: {  	[smem:s4], [sflag:s15] =	dma.local [hbm:s2], $0x1  }
0x93: {  	_ =	swait.eq [sflag:s15], $0x1  }
0x94: {  	[sflag:s15] =	ssyncset.done $0x0  }
0x95: {  	[sflag:s15] =	ssyncadd.s32 $0xFFFFFFFF  }
0x96: {  	s16 =	sld [smem:$0x10];
	(tm) =	ssettm $0x1  }
0x97: {  	s17 =	sld [smem:$0x3FFB];
	_ =	sdelay $0x3  }
0x98: {  	_ =	strace s17  }
0x99: {  	s3 =	sld [smem:$0x3FFC];
	_ =	sdelay $0x3  }
0x9a: {  	_ =	strace s3  }
0x9b: {  	s3 =	sld [smem:$0x3FFD];
	_ =	sdelay $0x3  }
0x9c: {  	_ =	strace s3  }
0x9d: {  	_ =	strace $0x8FFFFFFF  }
0x9e: {  	s18 =	sld [smem:$0x3FDB];
	_ =	sdelay $0x1  }
0x9f: {  	s19 =	simm.s32 $_scs_section_size  }
0xa0: {  	s5 =	simm.s32 $_size__tile_overlayer_lowered;
	s6 =	simm.s32 $_tile_overlayer_lowered  }
0xa1: {  	s22 =	simm.s32 $0x1BFF;
	s21 =	sshll.u32 s6, $0x1;
	s3 =	sadd.s32 s19, s18  }
0xa2: {  	s7 =	simm.s32 $0x0;
	s20 =	sshll.u32 s5, $0x1;
	s5 =	sadd.s32 s21, s3  }
0xa3: {  	[timem:s7], [sflag:s22] =	dma.local [hbm:s5], s20  }
0xa4: {  	_ =	swait.ge [sflag:s22], s20  }
0xa5: {  	s4 =	ssub.s32 $0x0, s20;
	[sflag:s22] =	ssyncset.done $0x0  }
0xa6: {  	[sflag:s22] =	ssyncadd.s32 s4;
	_ =	sdelay $0x1  }
0xa7: {  	s23 =	simm.s32 $0x1B8B  }
0xa8: {  	_ =	swait.ge [sflag:s23], $0x1  }
0xa9: {  	[sflag:s23] =	ssyncset.done $0x0  }
0xaa: {  	s25 =	simm.s32 $0x1B8E;
	s24 =	sld [smem:$0x3FFE];
	[sflag:s23] =	ssyncadd.s32 $0xFFFFFFFF  }
0xab: {  	s26 =	simm.s32 $execute0_lowered;
	[smem:$0x3FD2] =	sst s25  }
0xac: {  	s5 =	sshll.u32 s26, $0x1;
	_ =	strace $0x80000046;
	[dreg:$0x1] =	wrdreg $0xFFFFFFFF  }
0xad: {  	s28 =	simm.s32 $_size_execute0_lowered;
	s3 =	sadd.s32 s3, s5;
	[dreg:$0x0] =	wrdreg $0x0  }
0xae: {  	s5 =	sshll.u32 s28, $0x1;
	[dreg:$0x2] =	wrdreg s3  }
0xaf: {  	[dreg:$0x3] =	wrdreg s5  }
0xb0: {  	[dreg:$0x4] =	wrdreg $0xC0  }
0xb1: {  	_ =	task [dreg:s7], $0x5FFFF  }
0xb2: {  	[dreg:$0x1] =	wrdreg $0xFFFFFFFF  }
0xb3: {  	[dreg:$0x0] =	wrdreg $0x60  }
0xb4: {  	[dreg:$0x2] =	wrdreg s24  }
0xb5: {  	[dreg:$0x3] =	wrdreg s16  }
0xb6: {  	[dreg:$0x4] =	wrdreg $0x9  }
0xb7: {  	_ =	task.clear_ibuf [dreg:s7], $0x5FFFF;
	_ =	strace $0x90000046  }
0xb8: {  	s29 =	simm.s32 $0x9;
	_ =	strace $0x80000048  }
0xb9: {  	_ =	swait.ge [sflag:s29], $0x1  }
0xba: {  	[sflag:s29] =	ssyncadd.s32 $0xFFFFFFFF  }
0xbb: {  	_ =	strace $0x90000048  }
0xbc: {  	_ =	sfence  }
0xbd: {  	s30 =	sld [smem:$0x0];
	_ =	sdelay $0x2  }
0xbe: {  	s31 =	sshll.u32 s1, $0xD;
	s1 =	sshrl.u32 s1, $0x2  }
0xbf: {  	s3 =	sand.u32 $0x4000, s31;
	s1 =	sadd.s32 s1, s30  }
0xc0: {  	s0 =	sor.u32 s3, s0;
	s1 =	sshll.u32 s1, $0x11  }
0xc1: {  	s0 =	sor.u32 s1, s0  }
0xc2: {  	s0 =	sadd.s32 $0x8F2B, s0  }
0xc3: {  	[sflag:s0] =	ssyncadd.remote.s32 $0x1  }
0xc4: {  	_ =	sfence.sel $0xFFFF  }
0xc5: {  	[dreg:$0x0] =	wrdreg $0xFFFFFFFF;
	(pc) =	sbr.abs _section_cstart, $3  }
0xc6: {  	[dreg:$0x1] =	wrdreg $0xFFFFFFFF  }
0xc7: {  	_ =	task.clear_ibuf [dreg:s7], $0x2FFFF;
	_ =	strace $0x9FFFFFFF  }
0xc8: {  	(tm) =	ssettm $0x7FFFFFFF  }
0xc9: {  	_ =	shalt  }
tec
execute0_lowered:
.L_overlay_start_1:
0x0: {  	(tag) =	ssettag $0x1  }
0x1: {  	s2 =	rddreg [dreg:$0x0]  }
0x2: {  	s1 =	srdreg.scid;
	s0 =	stileid.u32  }
0x3: {  	s4 =	rddreg [dreg:$0x1];
	s9 =	sand.u32 $0x1, s1;
	s5 =	sshll.u32 s0, $0x1  }
0x4: {  	s3 =	simm.s32 $0x0;
	s1 =	rddreg [dreg:$0x2];
	s10 =	sor.u32 s9, s5  }
0x5: {  	[smem:$0x7FF] =	sst s3;
	s5 =	sshll.u32 s10, $0x5  }
0x6: {  	_ =	strace $0x80000047;
	s5 =	sadd.s32 s4, s5;
	s4 =	simm.s32 $0x2  }
0x7: {  	[tilespmem:s3], [sflag:$0x2] =	stream.linear.gather [hbm4b:s5+s3], $0x100, $0x38;
	[tilespmem:$0x8100] =	vst v63  }
0x8: {  	_ =	swait.ge [sflag:s4], $0x100  }
0x9: {  	s6 =	simm.s32 $0x80;
	s7 =	simm.s32 $0x100;
	[sflag:s4] =	ssyncset.done $0x0  }
0xa: {  	s8 =	simm.s32 $0x1;
	s11 =	ssub.s32 $0x2, s9;
	[sflag:s4] =	ssyncadd.s32 $0xFFFFFF00  }
0xb: {  	[tilespmem:s7], [sflag:$0x1] =	stream.indirect.gather [hbm4b:s2+s6], $0x80, s3, s6, $0xb8;
	[tilespmem:$0x8100] =	vst v63  }
0xc: {  	s12 =	sshrl.u32 s11, $0x1;
	_ =	swait.ge [sflag:s8], $0x4000  }
0xd: {  	s11 =	ssub.s32 s11, s12;
	[sflag:s8] =	ssyncset.done $0x0  }
0xe: {  	s9 =	simm.s32 $0x4100;
	s11 =	smax.u32 s11, $0x1;
	[sflag:s8] =	ssyncadd.s32 $0xFFFFC000  }
0xf: {  	[tilespmem:s9], [sflag:$0x1] =	stream.indirect.gather [hbm4b:s2+s6], $0x80, s6, s6, $0xb8;
	[tilespmem:$0x8100] =	vst v63  }
0x10: {  	s10 =	sshll.u32 s10, $0xC;
	p0 =	sne.s32 s11, $0x1;
	_ =	swait.ge [sflag:s8], $0x4000  }
.Ltmp0:
0x11: {  	s10 =	sadd.s32 s10, s2;
	[sflag:s8] =	ssyncset.done $0x0;
	(pc) =	sbr.rel @!p0 .LBB2_2-.Ltmp0, $4  }
0x12: {  	s10 =	sadd.s32 $0x20000, s10;
	[sflag:s8] =	ssyncadd.s32 $0xFFFFC000  }
0x13: {  	[hbm4b:s10+s3] =	stream.linear.scatter [tilespmem:s7], [sflag:$0x2], $0x8000, $0x38;
	[tilespmem:$0x8100] =	vst v63  }
0x14: {  	_ =	swait.ge [sflag:s4], $0x8000  }
0x15: {  	s11 =	sadd.s32 $0xFFFFFFFF, s11;
	[sflag:s4] =	ssyncset.done $0x0  }
.LBB2_1:
0x16: {  	p0 =	sne.s32 s11, $0x1;
	s11 =	sadd.s32 $0xFFFFFFFF, s11;
	[sflag:s4] =	ssyncadd.s32 $0xFFFF8000  }
0x17: {  	[tilespmem:s3], [sflag:$0x2] =	stream.linear.gather [hbm4b:s5+s3], $0x100, $0x38;
	[tilespmem:$0x8100] =	vst v63  }
0x18: {  	_ =	swait.ge [sflag:s4], $0x100  }
0x19: {  	[sflag:s4] =	ssyncset.done $0x0  }
0x1a: {  	[sflag:s4] =	ssyncadd.s32 $0xFFFFFF00  }
0x1b: {  	[tilespmem:s7], [sflag:$0x1] =	stream.indirect.gather [hbm4b:s2+s6], $0x80, s3, s6, $0xb8;
	[tilespmem:$0x8100] =	vst v63  }
0x1c: {  	_ =	swait.ge [sflag:s8], $0x4000  }
0x1d: {  	[sflag:s8] =	ssyncset.done $0x0  }
0x1e: {  	[sflag:s8] =	ssyncadd.s32 $0xFFFFC000  }
0x1f: {  	[tilespmem:s9], [sflag:$0x1] =	stream.indirect.gather [hbm4b:s2+s6], $0x80, s6, s6, $0xb8;
	[tilespmem:$0x8100] =	vst v63  }
0x20: {  	_ =	swait.ge [sflag:s8], $0x4000  }
.Ltmp1:
0x21: {  	[sflag:s8] =	ssyncset.done $0x0;
	(pc) =	sbr.rel @p0 .LBB2_1-.Ltmp1, $4  }
0x22: {  	[sflag:s8] =	ssyncadd.s32 $0xFFFFC000  }
0x23: {  	[hbm4b:s10+s3] =	stream.linear.scatter [tilespmem:s7], [sflag:$0x2], $0x8000, $0x38;
	[tilespmem:$0x8100] =	vst v63  }
0x24: {  	_ =	swait.ge [sflag:s4], $0x8000  }
0x25: {  	[sflag:s4] =	ssyncset.done $0x0  }
.LBB2_2:
0x26: {  	[sflag:s4] =	ssyncadd.s32 $0xFFFF8000  }
0x27: {  	_ =	sfence.sel $0x180000  }
0x28: {  	[bflag:$0x0] =	sbarrier.arrive $0xFFFF  }
0x29: {  	p0 =	sne.s32 s0, $0x0;
	_ =	strace $0x90000047  }
0x2a: {  	s0 =	sadd.s32 @!p0 $0x100000, s1;
	[bflag:$0x2] =	sbarrier.arrive $0xFFFF  }
0x2b: {  	[sflag:s0] =	ssyncadd.tile.s32 @!p0 $0x1;
	_ =	shalt  }
.Lfunc_end2:
_tile_overlayer_lowered:
.L_overlay_start_2:
0x2c: {  	(tag) =	ssettag $0x2  }
0x2d: {  	s0 =	rddreg [dreg:$0x0];
	s2 =	stileid.u32  }
0x2e: {  	s1 =	rddreg [dreg:$0x1];
	p0 =	sne.s32 s2, $0x0  }
0x2f: {  	s3 =	rddreg [dreg:$0x2];
	[bflag:$0x3] =	sbarrier.arrive $0xFFFF;
	s2 =	simm.s32 @!p0 $0x1C02  }
0x30: {  	[timem:s3], [sflag:s2] =	dma.local @!p0 [hbm:s0], s1  }
0x31: {  	s0 =	simm.s32 @!p0 $0x2  }
0x32: {  	_ =	swait.ge @!p0 [sflag:s0], s1  }
0x33: {  	s1 =	ssub.s32 @!p0 $0x0, s1;
	[sflag:s0] =	ssyncset.done @!p0 $0x0  }
0x34: {  	[sflag:s0] =	ssyncadd.s32 @!p0 s1  }
0x35: {  	[bflag:$0x3] =	sbarrier.arrive $0xFFFF  }
0x36: {  	_ =	shalt  }

</sc_bundles>
